<compile_context>
chip_gen: v7x
topology: tpu7x:2x2x1
jax: 0.10.2.dev20260603
libtpu: 0.0.44.dev20260713+nightly
codegen_flags: <defaults>
</compile_context>

<pallas_src>
import functools

import jax
import jax.numpy as jnp
from jax import lax
from jax.experimental import pallas as pl
from jax.experimental.pallas import tpu as pltpu
from jax.experimental.pallas import tpu_sc as plsc

B, S, D = 4096, 200, 128
NC, NS = 2, 16
NW = NC * NS
ROWS_PER_W = (B * S) // NW
CHUNK = 128
N_CHUNK = ROWS_PER_W // CHUNK
NBUF = 5
N_GROUP = N_CHUNK // NBUF


def _emb_body(x_hbm, w_hbm, out_hbm, idx_v, *scratch):
    bufs = scratch[:NBUF]
    wsems = scratch[NBUF:2 * NBUF]

    c = lax.axis_index("c")
    s = lax.axis_index("s")
    wid = s * NC + c

    pltpu.sync_copy(x_hbm.at[wid], idx_v)

    for b in range(NBUF):
        pltpu.async_copy(bufs[b], out_hbm.at[wid, b], wsems[b])

    def body(g, carry):
        for b in range(NBUF):
            jn = (g + 1) * NBUF + b
            pltpu.make_async_copy(
                bufs[b], out_hbm.at[wid, 0], wsems[b]).wait()

            @pl.when(jn < N_CHUNK)
            def _():
                pltpu.async_copy(bufs[b], out_hbm.at[wid, jn], wsems[b])

        return carry

    lax.fori_loop(0, N_GROUP, body, 0)


@jax.jit
def kernel(x, W):
    xf = x.reshape(NW, N_CHUNK, CHUNK).astype(jnp.int32)
    mesh = plsc.VectorSubcoreMesh(core_axis_name="c", subcore_axis_name="s")
    scratch = (
        [pltpu.VMEM((CHUNK, D), jnp.float32) for _ in range(NBUF)]
        + [pltpu.SemaphoreType.DMA for _ in range(NBUF)]
    )
    f = pl.kernel(
        _emb_body,
        out_type=jax.ShapeDtypeStruct((NW, N_CHUNK, CHUNK, D), jnp.float32),
        mesh=mesh,
        scratch_types=[pltpu.VMEM((N_CHUNK, CHUNK), jnp.int32)] + scratch,
    )
    out = f(xf, W)
    return out.reshape(B, S, D)

# --- scband reference (transcript-rebuilt; emitter-appended) ---
"""Pipeline reference for scband-text-tokenizer-28638841930128 (READ-ONLY COPY).

The authoritative reference and input builder live on the scoring server;
editing this copy changes nothing except your own understanding.
"""

import jax, jax.numpy as jnp
import numpy as np

VOCAB = 100000
DIM = 128

def setup_inputs(seed: int = 0) -> dict:
    key = jax.random.key(seed)
    k1, k2 = jax.random.split(key)
    x = jax.random.randint(k1, (4096, 200), 0, VOCAB, dtype=jnp.int64 if jax.config.jax_enable_x64 else jnp.int32)
    W = jax.random.normal(k2, (VOCAB, DIM), dtype=jnp.float32) * 0.02
    return {"x": x, "W": W}

def reference(x, W):
    # Faithful translation of nn.Embedding forward: row gather from table
    return jnp.take(W, x, axis=0)

if __name__ == "__main__":
    import jax
    _d = setup_inputs()
    print(jax.jit(kernel)(*tuple(_d.values())))

</pallas_src>

<mosaic_0001>
#map = affine_map<(d0, d1) -> (0, 0, 0)>
#map1 = affine_map<(d0, d1) -> (0, 0)>
#map2 = affine_map<(d0, d1) -> (0, 0, 0, 0)>
module attributes {stable_mosaic.version = 14 : i64} {
  func.func @_emb_body(%arg0: i32, %arg1: i32, %arg2: memref<32x200x128xi32, #tpu.memory_space<hbm>>, %arg3: memref<100000x128xf32, #tpu.memory_space<hbm>>, %arg4: memref<32x200x128x128xf32, #tpu.memory_space<hbm>>, %arg5: memref<200x128xi32, #tpu.memory_space<vmem>>, %arg6: memref<128x128xf32, #tpu.memory_space<vmem>>, %arg7: memref<128x128xf32, #tpu.memory_space<vmem>>, %arg8: memref<128x128xf32, #tpu.memory_space<vmem>>, %arg9: memref<128x128xf32, #tpu.memory_space<vmem>>, %arg10: memref<128x128xf32, #tpu.memory_space<vmem>>, %arg11: memref<!tpu.dma_semaphore, #tpu.memory_space<semaphore_mem>>, %arg12: memref<!tpu.dma_semaphore, #tpu.memory_space<semaphore_mem>>, %arg13: memref<!tpu.dma_semaphore, #tpu.memory_space<semaphore_mem>>, %arg14: memref<!tpu.dma_semaphore, #tpu.memory_space<semaphore_mem>>, %arg15: memref<!tpu.dma_semaphore, #tpu.memory_space<semaphore_mem>>) attributes {dimension_semantics = [#tpu.dimension_semantics<core_parallel>, #tpu.dimension_semantics<subcore_parallel>], iteration_bounds = array<i64: 2, 16>, scalar_prefetch = 0 : i64, scratch_operands = 11 : i64, tpu.core_type = #tpu.core_type<sc_vector_subcore>, window_params = [{transform_indices = #map}, {transform_indices = #map1}, {transform_indices = #map2}]} {
    %mul3A = arith.constant 2 : i32
    %mul3A_0 = arith.muli %arg1, %mul3A : i32
    %add3A = arith.addi %mul3A_0, %arg0 : i32
    "tpu.region"() ({
      %run_scoped3A = tpu.sem_alloc : memref<!tpu.dma_semaphore, #tpu.memory_space<semaphore_mem>>
      %dma_start3A_50 = arith.constant 0 : i32
      %dma_start3A_51 = arith.constant 0 : i32
      %dma_start3A_52 = tpu.memref_slice %arg2[%add3A, %dma_start3A_50, %dma_start3A_51] : memref<32x200x128xi32, #tpu.memory_space<hbm>> -> memref<1x200x128xi32, #tpu.memory_space<hbm>>
      %dma_start3A_53 = tpu.memref_squeeze %dma_start3A_52 : memref<1x200x128xi32, #tpu.memory_space<hbm>> -> memref<200x128xi32, #tpu.memory_space<hbm>>
      %dma_start3A_54 = arith.constant 0 : i32
      %dma_start3A_55 = arith.constant 0 : i32
      %dma_start3A_56 = tpu.memref_slice %arg2[%add3A, %dma_start3A_54, %dma_start3A_55] : memref<32x200x128xi32, #tpu.memory_space<hbm>> -> memref<1x200x128xi32, #tpu.memory_space<hbm>>
      %dma_start3A_57 = tpu.memref_squeeze %dma_start3A_56 : memref<1x200x128xi32, #tpu.memory_space<hbm>> -> memref<200x128xi32, #tpu.memory_space<hbm>>
      tpu.enqueue_dma source(%dma_start3A_57 : memref<200x128xi32, #tpu.memory_space<hbm>>) target(%arg5 : memref<200x128xi32, #tpu.memory_space<vmem>>) target_semaphore(%run_scoped3A : memref<!tpu.dma_semaphore, #tpu.memory_space<semaphore_mem>>)
      %dma_wait3A = arith.constant 0 : i32
      %dma_wait3A_58 = arith.constant 0 : i32
      %dma_wait3A_59 = tpu.memref_slice %arg2[%add3A, %dma_wait3A, %dma_wait3A_58] : memref<32x200x128xi32, #tpu.memory_space<hbm>> -> memref<1x200x128xi32, #tpu.memory_space<hbm>>
      %dma_wait3A_60 = tpu.memref_squeeze %dma_wait3A_59 : memref<1x200x128xi32, #tpu.memory_space<hbm>> -> memref<200x128xi32, #tpu.memory_space<hbm>>
      %dma_wait3A_61 = arith.constant 0 : i32
      %dma_wait3A_62 = arith.constant 0 : i32
      %dma_wait3A_63 = tpu.memref_slice %arg2[%add3A, %dma_wait3A_61, %dma_wait3A_62] : memref<32x200x128xi32, #tpu.memory_space<hbm>> -> memref<1x200x128xi32, #tpu.memory_space<hbm>>
      %dma_wait3A_64 = tpu.memref_squeeze %dma_wait3A_63 : memref<1x200x128xi32, #tpu.memory_space<hbm>> -> memref<200x128xi32, #tpu.memory_space<hbm>>
      tpu.wait_dma2 semaphore(%run_scoped3A : memref<!tpu.dma_semaphore, #tpu.memory_space<semaphore_mem>>) src(%dma_wait3A_64 : memref<200x128xi32, #tpu.memory_space<hbm>>) dst(%arg5 : memref<200x128xi32, #tpu.memory_space<vmem>>)
      tpu.yield
    }) : () -> ()
    %dma_start3A = arith.constant 0 : i32
    %dma_start3A_1 = arith.constant 0 : i32
    %dma_start3A_2 = arith.constant 0 : i32
    %dma_start3A_3 = tpu.memref_slice %arg4[%add3A, %dma_start3A, %dma_start3A_1, %dma_start3A_2] : memref<32x200x128x128xf32, #tpu.memory_space<hbm>> -> memref<1x1x128x128xf32, #tpu.memory_space<hbm>>
    %dma_start3A_4 = tpu.memref_squeeze %dma_start3A_3 : memref<1x1x128x128xf32, #tpu.memory_space<hbm>> -> memref<128x128xf32, #tpu.memory_space<hbm>>
    %dma_start3A_5 = arith.constant 0 : i32
    %dma_start3A_6 = arith.constant 0 : i32
    %dma_start3A_7 = tpu.memref_slice %arg4[%add3A, %dma_start3A, %dma_start3A_5, %dma_start3A_6] : memref<32x200x128x128xf32, #tpu.memory_space<hbm>> -> memref<1x1x128x128xf32, #tpu.memory_space<hbm>>
    %dma_start3A_8 = tpu.memref_squeeze %dma_start3A_7 : memref<1x1x128x128xf32, #tpu.memory_space<hbm>> -> memref<128x128xf32, #tpu.memory_space<hbm>>
    tpu.enqueue_dma source(%arg6 : memref<128x128xf32, #tpu.memory_space<vmem>>) target(%dma_start3A_8 : memref<128x128xf32, #tpu.memory_space<hbm>>) target_semaphore(%arg11 : memref<!tpu.dma_semaphore, #tpu.memory_space<semaphore_mem>>)
    %dma_start3A_9 = arith.constant 1 : i32
    %dma_start3A_10 = arith.constant 0 : i32
    %dma_start3A_11 = arith.constant 0 : i32
    %dma_start3A_12 = tpu.memref_slice %arg4[%add3A, %dma_start3A_9, %dma_start3A_10, %dma_start3A_11] : memref<32x200x128x128xf32, #tpu.memory_space<hbm>> -> memref<1x1x128x128xf32, #tpu.memory_space<hbm>>
    %dma_start3A_13 = tpu.memref_squeeze %dma_start3A_12 : memref<1x1x128x128xf32, #tpu.memory_space<hbm>> -> memref<128x128xf32, #tpu.memory_space<hbm>>
    %dma_start3A_14 = arith.constant 0 : i32
    %dma_start3A_15 = arith.constant 0 : i32
    %dma_start3A_16 = tpu.memref_slice %arg4[%add3A, %dma_start3A_9, %dma_start3A_14, %dma_start3A_15] : memref<32x200x128x128xf32, #tpu.memory_space<hbm>> -> memref<1x1x128x128xf32, #tpu.memory_space<hbm>>
    %dma_start3A_17 = tpu.memref_squeeze %dma_start3A_16 : memref<1x1x128x128xf32, #tpu.memory_space<hbm>> -> memref<128x128xf32, #tpu.memory_space<hbm>>
    tpu.enqueue_dma source(%arg7 : memref<128x128xf32, #tpu.memory_space<vmem>>) target(%dma_start3A_17 : memref<128x128xf32, #tpu.memory_space<hbm>>) target_semaphore(%arg12 : memref<!tpu.dma_semaphore, #tpu.memory_space<semaphore_mem>>)
    %dma_start3A_18 = arith.constant 2 : i32
    %dma_start3A_19 = arith.constant 0 : i32
    %dma_start3A_20 = arith.constant 0 : i32
    %dma_start3A_21 = tpu.memref_slice %arg4[%add3A, %dma_start3A_18, %dma_start3A_19, %dma_start3A_20] : memref<32x200x128x128xf32, #tpu.memory_space<hbm>> -> memref<1x1x128x128xf32, #tpu.memory_space<hbm>>
    %dma_start3A_22 = tpu.memref_squeeze %dma_start3A_21 : memref<1x1x128x128xf32, #tpu.memory_space<hbm>> -> memref<128x128xf32, #tpu.memory_space<hbm>>
    %dma_start3A_23 = arith.constant 0 : i32
    %dma_start3A_24 = arith.constant 0 : i32
    %dma_start3A_25 = tpu.memref_slice %arg4[%add3A, %dma_start3A_18, %dma_start3A_23, %dma_start3A_24] : memref<32x200x128x128xf32, #tpu.memory_space<hbm>> -> memref<1x1x128x128xf32, #tpu.memory_space<hbm>>
    %dma_start3A_26 = tpu.memref_squeeze %dma_start3A_25 : memref<1x1x128x128xf32, #tpu.memory_space<hbm>> -> memref<128x128xf32, #tpu.memory_space<hbm>>
    tpu.enqueue_dma source(%arg8 : memref<128x128xf32, #tpu.memory_space<vmem>>) target(%dma_start3A_26 : memref<128x128xf32, #tpu.memory_space<hbm>>) target_semaphore(%arg13 : memref<!tpu.dma_semaphore, #tpu.memory_space<semaphore_mem>>)
    %dma_start3A_27 = arith.constant 3 : i32
    %dma_start3A_28 = arith.constant 0 : i32
    %dma_start3A_29 = arith.constant 0 : i32
    %dma_start3A_30 = tpu.memref_slice %arg4[%add3A, %dma_start3A_27, %dma_start3A_28, %dma_start3A_29] : memref<32x200x128x128xf32, #tpu.memory_space<hbm>> -> memref<1x1x128x128xf32, #tpu.memory_space<hbm>>
    %dma_start3A_31 = tpu.memref_squeeze %dma_start3A_30 : memref<1x1x128x128xf32, #tpu.memory_space<hbm>> -> memref<128x128xf32, #tpu.memory_space<hbm>>
    %dma_start3A_32 = arith.constant 0 : i32
    %dma_start3A_33 = arith.constant 0 : i32
    %dma_start3A_34 = tpu.memref_slice %arg4[%add3A, %dma_start3A_27, %dma_start3A_32, %dma_start3A_33] : memref<32x200x128x128xf32, #tpu.memory_space<hbm>> -> memref<1x1x128x128xf32, #tpu.memory_space<hbm>>
    %dma_start3A_35 = tpu.memref_squeeze %dma_start3A_34 : memref<1x1x128x128xf32, #tpu.memory_space<hbm>> -> memref<128x128xf32, #tpu.memory_space<hbm>>
    tpu.enqueue_dma source(%arg9 : memref<128x128xf32, #tpu.memory_space<vmem>>) target(%dma_start3A_35 : memref<128x128xf32, #tpu.memory_space<hbm>>) target_semaphore(%arg14 : memref<!tpu.dma_semaphore, #tpu.memory_space<semaphore_mem>>)
    %dma_start3A_36 = arith.constant 4 : i32
    %dma_start3A_37 = arith.constant 0 : i32
    %dma_start3A_38 = arith.constant 0 : i32
    %dma_start3A_39 = tpu.memref_slice %arg4[%add3A, %dma_start3A_36, %dma_start3A_37, %dma_start3A_38] : memref<32x200x128x128xf32, #tpu.memory_space<hbm>> -> memref<1x1x128x128xf32, #tpu.memory_space<hbm>>
    %dma_start3A_40 = tpu.memref_squeeze %dma_start3A_39 : memref<1x1x128x128xf32, #tpu.memory_space<hbm>> -> memref<128x128xf32, #tpu.memory_space<hbm>>
    %dma_start3A_41 = arith.constant 0 : i32
    %dma_start3A_42 = arith.constant 0 : i32
    %dma_start3A_43 = tpu.memref_slice %arg4[%add3A, %dma_start3A_36, %dma_start3A_41, %dma_start3A_42] : memref<32x200x128x128xf32, #tpu.memory_space<hbm>> -> memref<1x1x128x128xf32, #tpu.memory_space<hbm>>
    %dma_start3A_44 = tpu.memref_squeeze %dma_start3A_43 : memref<1x1x128x128xf32, #tpu.memory_space<hbm>> -> memref<128x128xf32, #tpu.memory_space<hbm>>
    tpu.enqueue_dma source(%arg10 : memref<128x128xf32, #tpu.memory_space<vmem>>) target(%dma_start3A_44 : memref<128x128xf32, #tpu.memory_space<hbm>>) target_semaphore(%arg15 : memref<!tpu.dma_semaphore, #tpu.memory_space<semaphore_mem>>)
    %scan3A = arith.constant 0 : i32
    %scan3A_45 = arith.constant 0 : i32
    %scan3A_46 = arith.constant 40 : i32
    %scan3A_47 = arith.addi %scan3A_45, %scan3A_46 : i32
    %scan3A_48 = arith.constant 1 : i32
    scf.for %scan3A_50 = %scan3A_45 to %scan3A_47 step %scan3A_48  : i32 {
      %add3A_51 = arith.constant 1 : i32
      %add3A_52 = arith.addi %scan3A_50, %add3A_51 : i32
      %mul3A_53 = arith.constant 5 : i32
      %mul3A_54 = arith.muli %add3A_52, %mul3A_53 : i32
      %add3A_55 = arith.constant 0 : i32
      %add3A_56 = arith.addi %mul3A_54, %add3A_55 : i32
      %dma_wait3A = arith.constant 0 : i32
      %dma_wait3A_57 = arith.constant 0 : i32
      %dma_wait3A_58 = arith.constant 0 : i32
      %dma_wait3A_59 = tpu.memref_slice %arg4[%add3A, %dma_wait3A, %dma_wait3A_57, %dma_wait3A_58] : memref<32x200x128x128xf32, #tpu.memory_space<hbm>> -> memref<1x1x128x128xf32, #tpu.memory_space<hbm>>
      %dma_wait3A_60 = tpu.memref_squeeze %dma_wait3A_59 : memref<1x1x128x128xf32, #tpu.memory_space<hbm>> -> memref<128x128xf32, #tpu.memory_space<hbm>>
      %dma_wait3A_61 = arith.constant 0 : i32
      %dma_wait3A_62 = arith.constant 0 : i32
      %dma_wait3A_63 = tpu.memref_slice %arg4[%add3A, %dma_wait3A, %dma_wait3A_61, %dma_wait3A_62] : memref<32x200x128x128xf32, #tpu.memory_space<hbm>> -> memref<1x1x128x128xf32, #tpu.memory_space<hbm>>
      %dma_wait3A_64 = tpu.memref_squeeze %dma_wait3A_63 : memref<1x1x128x128xf32, #tpu.memory_space<hbm>> -> memref<128x128xf32, #tpu.memory_space<hbm>>
      tpu.wait_dma2 semaphore(%arg11 : memref<!tpu.dma_semaphore, #tpu.memory_space<semaphore_mem>>) src(%arg6 : memref<128x128xf32, #tpu.memory_space<vmem>>) dst(%dma_wait3A_64 : memref<128x128xf32, #tpu.memory_space<hbm>>)
      %lt3A = arith.constant 200 : i32
      %lt3A_65 = arith.cmpi slt, %add3A_56, %lt3A : i32
      %convert_element_type3A = arith.extui %lt3A_65 : i1 to i32
      %cond3A = arith.constant 0 : i32
      %cond3A_66 = arith.cmpi ne, %convert_element_type3A, %cond3A : i32
      scf.if %cond3A_66 {
        %dma_start3A_147 = arith.constant 0 : i32
        %dma_start3A_148 = arith.constant 0 : i32
        %dma_start3A_149 = tpu.memref_slice %arg4[%add3A, %add3A_56, %dma_start3A_147, %dma_start3A_148] : memref<32x200x128x128xf32, #tpu.memory_space<hbm>> -> memref<1x1x128x128xf32, #tpu.memory_space<hbm>>
        %dma_start3A_150 = tpu.memref_squeeze %dma_start3A_149 : memref<1x1x128x128xf32, #tpu.memory_space<hbm>> -> memref<128x128xf32, #tpu.memory_space<hbm>>
        %dma_start3A_151 = arith.constant 0 : i32
        %dma_start3A_152 = arith.constant 0 : i32
        %dma_start3A_153 = tpu.memref_slice %arg4[%add3A, %add3A_56, %dma_start3A_151, %dma_start3A_152] : memref<32x200x128x128xf32, #tpu.memory_space<hbm>> -> memref<1x1x128x128xf32, #tpu.memory_space<hbm>>
        %dma_start3A_154 = tpu.memref_squeeze %dma_start3A_153 : memref<1x1x128x128xf32, #tpu.memory_space<hbm>> -> memref<128x128xf32, #tpu.memory_space<hbm>>
        tpu.enqueue_dma source(%arg6 : memref<128x128xf32, #tpu.memory_space<vmem>>) target(%dma_start3A_154 : memref<128x128xf32, #tpu.memory_space<hbm>>) target_semaphore(%arg11 : memref<!tpu.dma_semaphore, #tpu.memory_space<semaphore_mem>>)
      } else {
      }
      %add3A_67 = arith.constant 1 : i32
      %add3A_68 = arith.addi %scan3A_50, %add3A_67 : i32
      %mul3A_69 = arith.constant 5 : i32
      %mul3A_70 = arith.muli %add3A_68, %mul3A_69 : i32
      %add3A_71 = arith.constant 1 : i32
      %add3A_72 = arith.addi %mul3A_70, %add3A_71 : i32
      %dma_wait3A_73 = arith.constant 0 : i32
      %dma_wait3A_74 = arith.constant 0 : i32
      %dma_wait3A_75 = arith.constant 0 : i32
      %dma_wait3A_76 = tpu.memref_slice %arg4[%add3A, %dma_wait3A_73, %dma_wait3A_74, %dma_wait3A_75] : memref<32x200x128x128xf32, #tpu.memory_space<hbm>> -> memref<1x1x128x128xf32, #tpu.memory_space<hbm>>
      %dma_wait3A_77 = tpu.memref_squeeze %dma_wait3A_76 : memref<1x1x128x128xf32, #tpu.memory_space<hbm>> -> memref<128x128xf32, #tpu.memory_space<hbm>>
      %dma_wait3A_78 = arith.constant 0 : i32
      %dma_wait3A_79 = arith.constant 0 : i32
      %dma_wait3A_80 = tpu.memref_slice %arg4[%add3A, %dma_wait3A_73, %dma_wait3A_78, %dma_wait3A_79] : memref<32x200x128x128xf32, #tpu.memory_space<hbm>> -> memref<1x1x128x128xf32, #tpu.memory_space<hbm>>
      %dma_wait3A_81 = tpu.memref_squeeze %dma_wait3A_80 : memref<1x1x128x128xf32, #tpu.memory_space<hbm>> -> memref<128x128xf32, #tpu.memory_space<hbm>>
      tpu.wait_dma2 semaphore(%arg12 : memref<!tpu.dma_semaphore, #tpu.memory_space<semaphore_mem>>) src(%arg7 : memref<128x128xf32, #tpu.memory_space<vmem>>) dst(%dma_wait3A_81 : memref<128x128xf32, #tpu.memory_space<hbm>>)
      %lt3A_82 = arith.constant 200 : i32
      %lt3A_83 = arith.cmpi slt, %add3A_72, %lt3A_82 : i32
      %convert_element_type3A_84 = arith.extui %lt3A_83 : i1 to i32
      %cond3A_85 = arith.constant 0 : i32
      %cond3A_86 = arith.cmpi ne, %convert_element_type3A_84, %cond3A_85 : i32
      scf.if %cond3A_86 {
        %dma_start3A_147 = arith.constant 0 : i32
        %dma_start3A_148 = arith.constant 0 : i32
        %dma_start3A_149 = tpu.memref_slice %arg4[%add3A, %add3A_72, %dma_start3A_147, %dma_start3A_148] : memref<32x200x128x128xf32, #tpu.memory_space<hbm>> -> memref<1x1x128x128xf32, #tpu.memory_space<hbm>>
        %dma_start3A_150 = tpu.memref_squeeze %dma_start3A_149 : memref<1x1x128x128xf32, #tpu.memory_space<hbm>> -> memref<128x128xf32, #tpu.memory_space<hbm>>
        %dma_start3A_151 = arith.constant 0 : i32
        %dma_start3A_152 = arith.constant 0 : i32
        %dma_start3A_153 = tpu.memref_slice %arg4[%add3A, %add3A_72, %dma_start3A_151, %dma_start3A_152] : memref<32x200x128x128xf32, #tpu.memory_space<hbm>> -> memref<1x1x128x128xf32, #tpu.memory_space<hbm>>
        %dma_start3A_154 = tpu.memref_squeeze %dma_start3A_153 : memref<1x1x128x128xf32, #tpu.memory_space<hbm>> -> memref<128x128xf32, #tpu.memory_space<hbm>>
        tpu.enqueue_dma source(%arg7 : memref<128x128xf32, #tpu.memory_space<vmem>>) target(%dma_start3A_154 : memref<128x128xf32, #tpu.memory_space<hbm>>) target_semaphore(%arg12 : memref<!tpu.dma_semaphore, #tpu.memory_space<semaphore_mem>>)
      } else {
      }
      %add3A_87 = arith.constant 1 : i32
      %add3A_88 = arith.addi %scan3A_50, %add3A_87 : i32
      %mul3A_89 = arith.constant 5 : i32
      %mul3A_90 = arith.muli %add3A_88, %mul3A_89 : i32
      %add3A_91 = arith.constant 2 : i32
      %add3A_92 = arith.addi %mul3A_90, %add3A_91 : i32
      %dma_wait3A_93 = arith.constant 0 : i32
      %dma_wait3A_94 = arith.constant 0 : i32
      %dma_wait3A_95 = arith.constant 0 : i32
      %dma_wait3A_96 = tpu.memref_slice %arg4[%add3A, %dma_wait3A_93, %dma_wait3A_94, %dma_wait3A_95] : memref<32x200x128x128xf32, #tpu.memory_space<hbm>> -> memref<1x1x128x128xf32, #tpu.memory_space<hbm>>
      %dma_wait3A_97 = tpu.memref_squeeze %dma_wait3A_96 : memref<1x1x128x128xf32, #tpu.memory_space<hbm>> -> memref<128x128xf32, #tpu.memory_space<hbm>>
      %dma_wait3A_98 = arith.constant 0 : i32
      %dma_wait3A_99 = arith.constant 0 : i32
      %dma_wait3A_100 = tpu.memref_slice %arg4[%add3A, %dma_wait3A_93, %dma_wait3A_98, %dma_wait3A_99] : memref<32x200x128x128xf32, #tpu.memory_space<hbm>> -> memref<1x1x128x128xf32, #tpu.memory_space<hbm>>
      %dma_wait3A_101 = tpu.memref_squeeze %dma_wait3A_100 : memref<1x1x128x128xf32, #tpu.memory_space<hbm>> -> memref<128x128xf32, #tpu.memory_space<hbm>>
      tpu.wait_dma2 semaphore(%arg13 : memref<!tpu.dma_semaphore, #tpu.memory_space<semaphore_mem>>) src(%arg8 : memref<128x128xf32, #tpu.memory_space<vmem>>) dst(%dma_wait3A_101 : memref<128x128xf32, #tpu.memory_space<hbm>>)
      %lt3A_102 = arith.constant 200 : i32
      %lt3A_103 = arith.cmpi slt, %add3A_92, %lt3A_102 : i32
      %convert_element_type3A_104 = arith.extui %lt3A_103 : i1 to i32
      %cond3A_105 = arith.constant 0 : i32
      %cond3A_106 = arith.cmpi ne, %convert_element_type3A_104, %cond3A_105 : i32
      scf.if %cond3A_106 {
        %dma_start3A_147 = arith.constant 0 : i32
        %dma_start3A_148 = arith.constant 0 : i32
        %dma_start3A_149 = tpu.memref_slice %arg4[%add3A, %add3A_92, %dma_start3A_147, %dma_start3A_148] : memref<32x200x128x128xf32, #tpu.memory_space<hbm>> -> memref<1x1x128x128xf32, #tpu.memory_space<hbm>>
        %dma_start3A_150 = tpu.memref_squeeze %dma_start3A_149 : memref<1x1x128x128xf32, #tpu.memory_space<hbm>> -> memref<128x128xf32, #tpu.memory_space<hbm>>
        %dma_start3A_151 = arith.constant 0 : i32
        %dma_start3A_152 = arith.constant 0 : i32
        %dma_start3A_153 = tpu.memref_slice %arg4[%add3A, %add3A_92, %dma_start3A_151, %dma_start3A_152] : memref<32x200x128x128xf32, #tpu.memory_space<hbm>> -> memref<1x1x128x128xf32, #tpu.memory_space<hbm>>
        %dma_start3A_154 = tpu.memref_squeeze %dma_start3A_153 : memref<1x1x128x128xf32, #tpu.memory_space<hbm>> -> memref<128x128xf32, #tpu.memory_space<hbm>>
        tpu.enqueue_dma source(%arg8 : memref<128x128xf32, #tpu.memory_space<vmem>>) target(%dma_start3A_154 : memref<128x128xf32, #tpu.memory_space<hbm>>) target_semaphore(%arg13 : memref<!tpu.dma_semaphore, #tpu.memory_space<semaphore_mem>>)
      } else {
      }
      %add3A_107 = arith.constant 1 : i32
      %add3A_108 = arith.addi %scan3A_50, %add3A_107 : i32
      %mul3A_109 = arith.constant 5 : i32
      %mul3A_110 = arith.muli %add3A_108, %mul3A_109 : i32
      %add3A_111 = arith.constant 3 : i32
      %add3A_112 = arith.addi %mul3A_110, %add3A_111 : i32
      %dma_wait3A_113 = arith.constant 0 : i32
      %dma_wait3A_114 = arith.constant 0 : i32
      %dma_wait3A_115 = arith.constant 0 : i32
      %dma_wait3A_116 = tpu.memref_slice %arg4[%add3A, %dma_wait3A_113, %dma_wait3A_114, %dma_wait3A_115] : memref<32x200x128x128xf32, #tpu.memory_space<hbm>> -> memref<1x1x128x128xf32, #tpu.memory_space<hbm>>
      %dma_wait3A_117 = tpu.memref_squeeze %dma_wait3A_116 : memref<1x1x128x128xf32, #tpu.memory_space<hbm>> -> memref<128x128xf32, #tpu.memory_space<hbm>>
      %dma_wait3A_118 = arith.constant 0 : i32
      %dma_wait3A_119 = arith.constant 0 : i32
      %dma_wait3A_120 = tpu.memref_slice %arg4[%add3A, %dma_wait3A_113, %dma_wait3A_118, %dma_wait3A_119] : memref<32x200x128x128xf32, #tpu.memory_space<hbm>> -> memref<1x1x128x128xf32, #tpu.memory_space<hbm>>
      %dma_wait3A_121 = tpu.memref_squeeze %dma_wait3A_120 : memref<1x1x128x128xf32, #tpu.memory_space<hbm>> -> memref<128x128xf32, #tpu.memory_space<hbm>>
      tpu.wait_dma2 semaphore(%arg14 : memref<!tpu.dma_semaphore, #tpu.memory_space<semaphore_mem>>) src(%arg9 : memref<128x128xf32, #tpu.memory_space<vmem>>) dst(%dma_wait3A_121 : memref<128x128xf32, #tpu.memory_space<hbm>>)
      %lt3A_122 = arith.constant 200 : i32
      %lt3A_123 = arith.cmpi slt, %add3A_112, %lt3A_122 : i32
      %convert_element_type3A_124 = arith.extui %lt3A_123 : i1 to i32
      %cond3A_125 = arith.constant 0 : i32
      %cond3A_126 = arith.cmpi ne, %convert_element_type3A_124, %cond3A_125 : i32
      scf.if %cond3A_126 {
        %dma_start3A_147 = arith.constant 0 : i32
        %dma_start3A_148 = arith.constant 0 : i32
        %dma_start3A_149 = tpu.memref_slice %arg4[%add3A, %add3A_112, %dma_start3A_147, %dma_start3A_148] : memref<32x200x128x128xf32, #tpu.memory_space<hbm>> -> memref<1x1x128x128xf32, #tpu.memory_space<hbm>>
        %dma_start3A_150 = tpu.memref_squeeze %dma_start3A_149 : memref<1x1x128x128xf32, #tpu.memory_space<hbm>> -> memref<128x128xf32, #tpu.memory_space<hbm>>
        %dma_start3A_151 = arith.constant 0 : i32
        %dma_start3A_152 = arith.constant 0 : i32
        %dma_start3A_153 = tpu.memref_slice %arg4[%add3A, %add3A_112, %dma_start3A_151, %dma_start3A_152] : memref<32x200x128x128xf32, #tpu.memory_space<hbm>> -> memref<1x1x128x128xf32, #tpu.memory_space<hbm>>
        %dma_start3A_154 = tpu.memref_squeeze %dma_start3A_153 : memref<1x1x128x128xf32, #tpu.memory_space<hbm>> -> memref<128x128xf32, #tpu.memory_space<hbm>>
        tpu.enqueue_dma source(%arg9 : memref<128x128xf32, #tpu.memory_space<vmem>>) target(%dma_start3A_154 : memref<128x128xf32, #tpu.memory_space<hbm>>) target_semaphore(%arg14 : memref<!tpu.dma_semaphore, #tpu.memory_space<semaphore_mem>>)
      } else {
      }
      %add3A_127 = arith.constant 1 : i32
      %add3A_128 = arith.addi %scan3A_50, %add3A_127 : i32
      %mul3A_129 = arith.constant 5 : i32
      %mul3A_130 = arith.muli %add3A_128, %mul3A_129 : i32
      %add3A_131 = arith.constant 4 : i32
      %add3A_132 = arith.addi %mul3A_130, %add3A_131 : i32
      %dma_wait3A_133 = arith.constant 0 : i32
      %dma_wait3A_134 = arith.constant 0 : i32
      %dma_wait3A_135 = arith.constant 0 : i32
      %dma_wait3A_136 = tpu.memref_slice %arg4[%add3A, %dma_wait3A_133, %dma_wait3A_134, %dma_wait3A_135] : memref<32x200x128x128xf32, #tpu.memory_space<hbm>> -> memref<1x1x128x128xf32, #tpu.memory_space<hbm>>
      %dma_wait3A_137 = tpu.memref_squeeze %dma_wait3A_136 : memref<1x1x128x128xf32, #tpu.memory_space<hbm>> -> memref<128x128xf32, #tpu.memory_space<hbm>>
      %dma_wait3A_138 = arith.constant 0 : i32
      %dma_wait3A_139 = arith.constant 0 : i32
      %dma_wait3A_140 = tpu.memref_slice %arg4[%add3A, %dma_wait3A_133, %dma_wait3A_138, %dma_wait3A_139] : memref<32x200x128x128xf32, #tpu.memory_space<hbm>> -> memref<1x1x128x128xf32, #tpu.memory_space<hbm>>
      %dma_wait3A_141 = tpu.memref_squeeze %dma_wait3A_140 : memref<1x1x128x128xf32, #tpu.memory_space<hbm>> -> memref<128x128xf32, #tpu.memory_space<hbm>>
      tpu.wait_dma2 semaphore(%arg15 : memref<!tpu.dma_semaphore, #tpu.memory_space<semaphore_mem>>) src(%arg10 : memref<128x128xf32, #tpu.memory_space<vmem>>) dst(%dma_wait3A_141 : memref<128x128xf32, #tpu.memory_space<hbm>>)
      %lt3A_142 = arith.constant 200 : i32
      %lt3A_143 = arith.cmpi slt, %add3A_132, %lt3A_142 : i32
      %convert_element_type3A_144 = arith.extui %lt3A_143 : i1 to i32
      %cond3A_145 = arith.constant 0 : i32
      %cond3A_146 = arith.cmpi ne, %convert_element_type3A_144, %cond3A_145 : i32
      scf.if %cond3A_146 {
        %dma_start3A_147 = arith.constant 0 : i32
        %dma_start3A_148 = arith.constant 0 : i32
        %dma_start3A_149 = tpu.memref_slice %arg4[%add3A, %add3A_132, %dma_start3A_147, %dma_start3A_148] : memref<32x200x128x128xf32, #tpu.memory_space<hbm>> -> memref<1x1x128x128xf32, #tpu.memory_space<hbm>>
        %dma_start3A_150 = tpu.memref_squeeze %dma_start3A_149 : memref<1x1x128x128xf32, #tpu.memory_space<hbm>> -> memref<128x128xf32, #tpu.memory_space<hbm>>
        %dma_start3A_151 = arith.constant 0 : i32
        %dma_start3A_152 = arith.constant 0 : i32
        %dma_start3A_153 = tpu.memref_slice %arg4[%add3A, %add3A_132, %dma_start3A_151, %dma_start3A_152] : memref<32x200x128x128xf32, #tpu.memory_space<hbm>> -> memref<1x1x128x128xf32, #tpu.memory_space<hbm>>
        %dma_start3A_154 = tpu.memref_squeeze %dma_start3A_153 : memref<1x1x128x128xf32, #tpu.memory_space<hbm>> -> memref<128x128xf32, #tpu.memory_space<hbm>>
        tpu.enqueue_dma source(%arg10 : memref<128x128xf32, #tpu.memory_space<vmem>>) target(%dma_start3A_154 : memref<128x128xf32, #tpu.memory_space<hbm>>) target_semaphore(%arg15 : memref<!tpu.dma_semaphore, #tpu.memory_space<semaphore_mem>>)
      } else {
      }
    }
    %scan3A_49 = arith.constant 40 : i32
    return
  }
}

</mosaic_0001>

<sc_bundles>
// kernel: kernel.3.cloned.1.call-start
scs
__scs_entry_jumppad:
0x0: {  	(pc) =	sbr.rel $0x88, $3  }
0x1: {  	(tag) =	ssettag $0x0;
	lr =	simm.s32 $0x1  }
0x2: {  	[smem:$0x3F9F] =	sst lr;
	_ =	strace $0xD0000000  }
0x3: {  	_ = 	snop  }
0x4: {  	_ = 	snop  }
0x5: {  	_ = 	snop  }
0x6: {  	_ = 	snop  }
0x7: {  	_ = 	snop  }
__scs_overlays_trampoline_lowered:
0x8: {  	[smem:$0x3FAE] =	sst s0  }
0x9: {  	[smem:$0x3FAF] =	sst s1  }
0xa: {  	[smem:$0x3FB0] =	sst s2  }
0xb: {  	[smem:$0x3FB1] =	sst s3  }
0xc: {  	[smem:$0x3FB2] =	sst s4  }
0xd: {  	[smem:$0x3FB3] =	sst s5  }
0xe: {  	[smem:$0x3FB4] =	sst s6  }
0xf: {  	[smem:$0x3FB5] =	sst s7  }
0x10: {  	[smem:$0x3FB6] =	sst s8  }
0x11: {  	[smem:$0x3FB7] =	sst s9;
	s0 =	simm.s32 @!p0 $0x0  }
0x12: {  	s1 =	sld [smem:$0x3F9D];
	s0 =	simm.s32 @p0 $0x1  }
0x13: {  	[smem:$0x3FB8] =	sst s0;
	s0 =	simm.s32 @!p1 $0x0  }
0x14: {  	s2 =	sld [smem:$0x3F9C];
	s0 =	simm.s32 @p1 $0x1  }
0x15: {  	[smem:$0x3FB9] =	sst s0;
	s0 =	simm.s32 @!p2 $0x0  }
0x16: {  	s3 =	sld [smem:$0x3FDB];
	s0 =	simm.s32 @p2 $0x1  }
0x17: {  	s4 =	simm.s32 $0x1BF5;
	[smem:$0x3FBB] =	sst s0  }
0x18: {  	s0 =	sld [smem:$0x3F9E];
	_ =	swait.ge [sflag:s4], $0x0  }
0x19: {  	s7 =	sld [smem:$0x3F9F]  }
0x1a: {  	s8 =	sadd.s32 $0xFFFFE003, lr  }
0x1b: {  	s9 =	sadd.s32 $0xFFFFFEF7, lr;
	s5 =	simm.s32 $0xFFFFFFFF;
	p2 =	slt.u32 s8, $0xFFFFF086  }
0x1c: {  	p1 =	slt.u32 s9, $0xF7A;
	s5 =	simm.s32 @!p2 $0x0  }
0x1d: {  	s5 =	simm.s32 @p1 $0x1;
	p0 =	seq.s32 s7, s2  }
0x1e: {  	s7 =	smul.u32 @!p0 $0xF7A, s2;
	p2 =	seq.s32 @!p0 s5, $0x0  }
0x1f: {  	s9 =	smul.u32 $0xF7A, s1;
	s8 =	simm.s32 @!p0 $0x1BF5;
	p2 =	por !p2, p0  }
0x20: {  	[sflag:s8] =	ssyncset.s32 @!p0 $0xFFFFF086;
	s6 =	sadd.s32 @!p0 s3, s7;
	s7 =	simm.s32 @!p0 $0x108  }
0x21: {  	s3 =	sadd.s32 s3, s9;
	s6 =	sadd.s32 @!p0 $0x88, s6;
	s7 =	simm.s32 @p2 $0x1082  }
0x22: {  	[simem:s7], [sflag:s8] =	dma.local @!p0 [hbm:s6], $0xF7A  }
0x23: {  	s9 =	sor.u32 $0xD0000000, s2;
	s6 =	simm.s32 $0x108;
	_ =	swait.ge @!p0 [sflag:s8], $0x0  }
0x24: {  	s3 =	sadd.s32 $0x88, s3;
	s6 =	simm.s32 @!p1 $0x1082;
	[sflag:s4] =	ssyncset.s32 $0xFFFFF086  }
0x25: {  	[simem:s6], [sflag:s4] =	dma.local [hbm:s3], $0xF7A  }
0x26: {  	[smem:$0x3F9F] =	sst s1;
	(tag) =	ssettag s2;
	_ =	strace s9  }
0x27: {  	s1 =	sld [smem:$0x3FAF]  }
0x28: {  	s2 =	sld [smem:$0x3FB0]  }
0x29: {  	s4 =	sld [smem:$0x3FB2]  }
0x2a: {  	p0 =	seq.s32 s5, $0x0;
	s5 =	sld [smem:$0x3FB3]  }
0x2b: {  	s6 =	sld [smem:$0x3FB4]  }
0x2c: {  	s7 =	sld [smem:$0x3FB5]  }
0x2d: {  	s3 =	simm.s32 $0x108;
	s8 =	sld [smem:$0x3FB6]  }
0x2e: {  	s3 =	simm.s32 @!p0 $0x1082;
	s9 =	sld [smem:$0x3FB7]  }
0x2f: {  	lr =	sadd.s32 s0, s3;
	s0 =	sld [smem:$0x3FAE]  }
0x30: {  	s3 =	sld [smem:$0x3FB1]  }
0x31: {  	[smem:$0x3FBA] =	sst s10  }
0x32: {  	s10 =	sld [smem:$0x3FB8];
	_ =	sdelay $0x3  }
0x33: {  	p0 =	seq.s32 s10, $0x1;
	s10 =	sld [smem:$0x3FBA];
	_ =	sdelay $0x3  }
0x34: {  	[smem:$0x3FBA] =	sst s10  }
0x35: {  	s10 =	sld [smem:$0x3FB9];
	_ =	sdelay $0x3  }
0x36: {  	p1 =	seq.s32 s10, $0x1;
	s10 =	sld [smem:$0x3FBA];
	_ =	sdelay $0x3  }
0x37: {  	[smem:$0x3FBA] =	sst s10  }
0x38: {  	s10 =	sld [smem:$0x3FBB]  }
0x39: {  	_ = 	snop;
	(pc) =	sbr.ind lr, $3  }
0x3a: {  	_ = 	snop  }
0x3b: {  	_ = 	snop  }
0x3c: {  	p2 =	seq.s32 s10, $0x1;
	s10 =	sld [smem:$0x3FBA]  }
0x3d: {  	_ =	shalt  }
0x3e: {  	_ =	shalt  }
0x3f: {  	_ =	shalt  }
0x40: {  	_ =	shalt  }
0x41: {  	_ =	shalt  }
0x42: {  	_ =	shalt  }
0x43: {  	_ =	shalt  }
0x44: {  	_ =	shalt  }
0x45: {  	_ =	shalt  }
0x46: {  	_ =	shalt  }
0x47: {  	_ =	shalt  }
0x48: {  	_ =	shalt  }
0x49: {  	_ =	shalt  }
0x4a: {  	_ =	shalt  }
0x4b: {  	_ =	shalt  }
0x4c: {  	_ =	shalt  }
0x4d: {  	_ =	shalt  }
0x4e: {  	_ =	shalt  }
0x4f: {  	_ =	shalt  }
0x50: {  	_ =	shalt  }
0x51: {  	_ =	shalt  }
0x52: {  	_ =	shalt  }
0x53: {  	_ =	shalt  }
0x54: {  	_ =	shalt  }
0x55: {  	_ =	shalt  }
0x56: {  	_ =	shalt  }
0x57: {  	_ =	shalt  }
0x58: {  	_ =	shalt  }
0x59: {  	_ =	shalt  }
0x5a: {  	_ =	shalt  }
0x5b: {  	_ =	shalt  }
0x5c: {  	_ =	shalt  }
0x5d: {  	_ =	shalt  }
0x5e: {  	_ =	shalt  }
0x5f: {  	_ =	shalt  }
0x60: {  	_ =	shalt  }
0x61: {  	_ =	shalt  }
0x62: {  	_ =	shalt  }
0x63: {  	_ =	shalt  }
0x64: {  	_ =	shalt  }
0x65: {  	_ =	shalt  }
0x66: {  	_ =	shalt  }
0x67: {  	_ =	shalt  }
0x68: {  	_ =	shalt  }
0x69: {  	_ =	shalt  }
0x6a: {  	_ =	shalt  }
0x6b: {  	_ =	shalt  }
0x6c: {  	_ =	shalt  }
0x6d: {  	_ =	shalt  }
0x6e: {  	_ =	shalt  }
0x6f: {  	_ =	shalt  }
0x70: {  	_ =	shalt  }
0x71: {  	_ =	shalt  }
0x72: {  	_ =	shalt  }
0x73: {  	_ =	shalt  }
0x74: {  	_ =	shalt  }
0x75: {  	_ =	shalt  }
0x76: {  	_ =	shalt  }
0x77: {  	_ =	shalt  }
0x78: {  	_ =	shalt  }
0x79: {  	_ =	shalt  }
0x7a: {  	_ =	shalt  }
0x7b: {  	_ =	shalt  }
0x7c: {  	_ =	shalt  }
0x7d: {  	_ =	shalt  }
0x7e: {  	_ =	shalt  }
0x7f: {  	_ =	shalt  }
0x80: {  	_ =	shalt  }
0x81: {  	_ =	shalt  }
0x82: {  	_ =	shalt  }
0x83: {  	_ =	shalt  }
0x84: {  	_ =	shalt  }
0x85: {  	_ =	shalt  }
0x86: {  	_ =	shalt  }
0x87: {  	_ =	shalt  }
.Lfunc_end0:
.L_simem_size_0:
called_computation_lowered:
.L_overlay_start_0:
0x88: {  	s2 =	sld [smem:$0x3FD9]  }
0x89: {  	s3 =	sld [smem:$0x3FFE];
	_ =	sdelay $0x1  }
0x8a: {  	s1 =	srdreg.scid  }
0x8b: {  	s0 =	sand.u32 $0x1, s1  }
0x8c: {  	s17 =	sshll.u32 s0, $0xA;
	s2 =	sadd.s32 s3, s2  }
0x8d: {  	s2 =	sadd.s32 s2, s17  }
0x8e: {  	[smem:$0x3FC6] =	sst s2  }
0x8f: {  	_ = 	snop  }
0x90: {  	s2 =	sld [smem:$0x3FD0];
	(tm) =	ssettm $0x1  }
0x91: {  	s18 =	sld [smem:$0x3FFB];
	_ =	sdelay $0x3  }
0x92: {  	_ =	strace s18  }
0x93: {  	s3 =	sld [smem:$0x3FFC];
	_ =	sdelay $0x3  }
0x94: {  	_ =	strace s3  }
0x95: {  	s3 =	sld [smem:$0x3FFD];
	_ =	sdelay $0x3  }
0x96: {  	_ =	strace s3  }
0x97: {  	_ =	strace $0x8FFFFFFF  }
0x98: {  	s19 =	sld [smem:$0x3FDB];
	_ =	sdelay $0x1  }
0x99: {  	s4 =	simm.s32 $_scs_section_size  }
0x9a: {  	s5 =	simm.s32 $_size__tile_overlayer_lowered;
	s6 =	simm.s32 $_tile_overlayer_lowered  }
0x9b: {  	s22 =	simm.s32 $0x1BFF;
	s21 =	sshll.u32 s6, $0x1;
	s3 =	sadd.s32 s4, s19  }
0x9c: {  	s7 =	simm.s32 $0x0;
	s20 =	sshll.u32 s5, $0x1;
	s5 =	sadd.s32 s21, s3  }
0x9d: {  	[timem:s7], [sflag:s22] =	dma.local [hbm:s5], s20  }
0x9e: {  	_ =	swait.ge [sflag:s22], s20  }
0x9f: {  	s4 =	ssub.s32 $0x0, s20;
	[sflag:s22] =	ssyncset.done $0x0  }
0xa0: {  	[sflag:s22] =	ssyncadd.s32 s4;
	_ =	sdelay $0x1  }
0xa1: {  	s23 =	simm.s32 $0x1B8B  }
0xa2: {  	_ =	swait.ge [sflag:s23], $0x1  }
0xa3: {  	[sflag:s23] =	ssyncset.done $0x0  }
0xa4: {  	s25 =	simm.s32 $0x1B8E;
	s24 =	sld [smem:$0x3FFE];
	[sflag:s23] =	ssyncadd.s32 $0xFFFFFFFF  }
0xa5: {  	s26 =	simm.s32 $execute0_lowered;
	[smem:$0x3FD2] =	sst s25  }
0xa6: {  	s5 =	sshll.u32 s26, $0x1;
	_ =	strace $0x80000046;
	[dreg:$0x1] =	wrdreg $0xFFFFFFFF  }
0xa7: {  	s28 =	simm.s32 $_size_execute0_lowered;
	s3 =	sadd.s32 s3, s5;
	[dreg:$0x0] =	wrdreg $0x0  }
0xa8: {  	s5 =	sshll.u32 s28, $0x1;
	[dreg:$0x2] =	wrdreg s3  }
0xa9: {  	[dreg:$0x3] =	wrdreg s5  }
0xaa: {  	[dreg:$0x4] =	wrdreg $0xC0  }
0xab: {  	_ =	task [dreg:s7], $0x5FFFF  }
0xac: {  	[dreg:$0x1] =	wrdreg $0xFFFFFFFF  }
0xad: {  	[dreg:$0x0] =	wrdreg $0x60  }
0xae: {  	[dreg:$0x2] =	wrdreg s24  }
0xaf: {  	[dreg:$0x3] =	wrdreg s2  }
0xb0: {  	[dreg:$0x4] =	wrdreg $0x9  }
0xb1: {  	_ =	task.clear_ibuf [dreg:s7], $0x5FFFF;
	_ =	strace $0x90000046  }
0xb2: {  	s29 =	simm.s32 $0x9;
	_ =	strace $0x80000048  }
0xb3: {  	_ =	swait.ge [sflag:s29], $0x1  }
0xb4: {  	[sflag:s29] =	ssyncadd.s32 $0xFFFFFFFF  }
0xb5: {  	_ =	strace $0x90000048  }
0xb6: {  	_ =	sfence  }
0xb7: {  	s30 =	sld [smem:$0x0];
	_ =	sdelay $0x2  }
0xb8: {  	s31 =	sshll.u32 s1, $0xD;
	s1 =	sshrl.u32 s1, $0x2  }
0xb9: {  	s3 =	sand.u32 $0x4000, s31;
	s1 =	sadd.s32 s1, s30  }
0xba: {  	s0 =	sor.u32 s3, s0;
	s1 =	sshll.u32 s1, $0x11  }
0xbb: {  	s0 =	sor.u32 s1, s0  }
0xbc: {  	s0 =	sadd.s32 $0x8F2B, s0  }
0xbd: {  	[sflag:s0] =	ssyncadd.remote.s32 $0x1  }
0xbe: {  	_ =	sfence.sel $0xFFFF  }
0xbf: {  	[dreg:$0x0] =	wrdreg $0xFFFFFFFF;
	(pc) =	sbr.abs _section_cstart, $3  }
0xc0: {  	[dreg:$0x1] =	wrdreg $0xFFFFFFFF  }
0xc1: {  	_ =	task.clear_ibuf [dreg:s7], $0x2FFFF;
	_ =	strace $0x9FFFFFFF  }
0xc2: {  	(tm) =	ssettm $0x7FFFFFFF  }
0xc3: {  	_ =	shalt  }
tec
execute0_lowered:
.L_overlay_start_1:
0x0: {  	(tag) =	ssettag $0x1  }
0x1: {  	s3 =	rddreg [dreg:$0x0];
	s1 =	srdreg.scid  }
0x2: {  	s0 =	stileid.u32;
	s14 =	rddreg [dreg:$0x1]  }
0x3: {  	s2 =	simm.s32 $0x0;
	s17 =	simm.s32 $0xA400;
	s18 =	simm.s32 $0xE400  }
0x4: {  	s19 =	simm.s32 $0x12400;
	s20 =	simm.s32 $0x16400;
	s21 =	simm.s32 $0x1  }
0x5: {  	s22 =	simm.s32 $0x2;
	s23 =	simm.s32 $0x3;
	s24 =	simm.s32 $0x4  }
0x6: {  	s4 =	sand.u32 $0x1, s1;
	s5 =	sshll.u32 s0, $0x1;
	s7 =	smul.u32 $0x640000, s0  }
0x7: {  	s25 =	simm.s32 $0x5;
	s5 =	sor.u32 s4, s5;
	s9 =	smul.u32 $0x320000, s4  }
0x8: {  	s26 =	simm.s32 $0x0;
	s30 =	ssub.s32 $0x2, s4;
	s6 =	smul.u32 $0xC80, s5  }
0x9: {  	[smem:$0x7FF] =	sst s2;
	s5 =	smul.u32 $0x320000, s5;
	s8 =	sshrl.u32 s30, $0x1  }
0xa: {  	s1 =	rddreg [dreg:$0x2];
	_ =	strace $0x80000047;
	s10 =	ssub.s32 s30, s8  }
0xb: {  	s12 =	sadd.s32 s9, s7;
	s3 =	sadd.s32 s6, s3;
	s5 =	sshrl.u32 s5, $0x3  }
0xc: {  	s9 =	sadd.s32 $0x24000, s12;
	s11 =	sadd.s32 $0x20000, s12;
	s31 =	sor.u32 $0x1C000, s12  }
0xd: {  	s15 =	sor.u32 $0x18000, s12;
	s12 =	sor.u32 $0x14000, s12;
	s3 =	sadd.s32 $0x400, s3  }
0xe: {  	s4 =	sadd.s32 s14, s5;
	s13 =	sshrl.u32 s9, $0x3;
	s11 =	sshrl.u32 s11, $0x3  }
0xf: {  	s9 =	smax.u32 s10, $0x1;
	s15 =	sshrl.u32 s15, $0x3;
	s16 =	sshrl.u32 s12, $0x3  }
0x10: {  	s5 =	sadd.s32 $0x800, s4;
	s6 =	sadd.s32 $0x1000, s4;
	s7 =	sadd.s32 $0x1800, s4  }
0x11: {  	s8 =	sadd.s32 $0x2000, s4;
	s10 =	sadd.s32 s13, s14;
	s13 =	sshrl.u32 s31, $0x3  }
0x12: {  	s11 =	sadd.s32 s11, s14;
	s12 =	sadd.s32 s13, s14;
	s13 =	sadd.s32 s15, s14  }
0x13: {  	s14 =	sadd.s32 s16, s14;
	s15 =	simm.s32 $0x6;
	s16 =	simm.s32 $0x6400  }
.LBB2_1:
0x14: {  	[tilespmem:s2], [sflag:$0x6] =	stream.linear.gather [hbm4b:s3+s2], $0x6400, $0x38;
	[tilespmem:$0x1A400] =	vst v63  }
0x15: {  	_ =	swait.ge [sflag:s15], $0x6400  }
0x16: {  	[sflag:s15] =	ssyncset.done $0x0  }
0x17: {  	[sflag:s15] =	ssyncadd.s32 $0xFFFF9C00  }
0x18: {  	[hbm4b:s4+s2] =	stream.linear.scatter [tilespmem:s16], [sflag:$0x1], $0x4000, $0x38;
	[tilespmem:$0x1A400] =	vst v63  }
0x19: {  	_ = 	snop  }
0x1a: {  	[hbm4b:s5+s2] =	stream.linear.scatter [tilespmem:s17], [sflag:$0x2], $0x4000, $0x38;
	[tilespmem:$0x1A400] =	vst v63  }
0x1b: {  	_ = 	snop  }
0x1c: {  	[hbm4b:s6+s2] =	stream.linear.scatter [tilespmem:s18], [sflag:$0x3], $0x4000, $0x38;
	[tilespmem:$0x1A400] =	vst v63  }
0x1d: {  	_ = 	snop  }
0x1e: {  	[hbm4b:s7+s2] =	stream.linear.scatter [tilespmem:s19], [sflag:$0x4], $0x4000, $0x38;
	[tilespmem:$0x1A400] =	vst v63  }
0x1f: {  	_ = 	snop  }
0x20: {  	[hbm4b:s8+s2] =	stream.linear.scatter [tilespmem:s20], [sflag:$0x5], $0x4000, $0x38;
	[tilespmem:$0x1A400] =	vst v63  }
0x21: {  	_ =	swait.ge [sflag:s21], $0x4000  }
0x22: {  	[sflag:s21] =	ssyncset.done $0x0  }
0x23: {  	s28 =	sadd.s32 $0x0, s14;
	[sflag:s21] =	ssyncadd.s32 $0xFFFFC000  }
0x24: {  	[hbm4b:s28+s2] =	stream.linear.scatter [tilespmem:s16], [sflag:$0x1], $0x4000, $0x38;
	[tilespmem:$0x1A400] =	vst v63  }
0x25: {  	_ =	swait.ge [sflag:s22], $0x4000  }
0x26: {  	[sflag:s22] =	ssyncset.done $0x0  }
0x27: {  	s28 =	sadd.s32 $0x0, s13;
	[sflag:s22] =	ssyncadd.s32 $0xFFFFC000  }
0x28: {  	[hbm4b:s28+s2] =	stream.linear.scatter [tilespmem:s17], [sflag:$0x2], $0x4000, $0x38;
	[tilespmem:$0x1A400] =	vst v63  }
0x29: {  	_ =	swait.ge [sflag:s23], $0x4000  }
0x2a: {  	[sflag:s23] =	ssyncset.done $0x0  }
0x2b: {  	s28 =	sadd.s32 $0x0, s12;
	[sflag:s23] =	ssyncadd.s32 $0xFFFFC000  }
0x2c: {  	[hbm4b:s28+s2] =	stream.linear.scatter [tilespmem:s18], [sflag:$0x3], $0x4000, $0x38;
	[tilespmem:$0x1A400] =	vst v63  }
0x2d: {  	_ =	swait.ge [sflag:s24], $0x4000  }
0x2e: {  	[sflag:s24] =	ssyncset.done $0x0  }
0x2f: {  	s28 =	sadd.s32 $0x0, s11;
	[sflag:s24] =	ssyncadd.s32 $0xFFFFC000  }
0x30: {  	[hbm4b:s28+s2] =	stream.linear.scatter [tilespmem:s19], [sflag:$0x4], $0x4000, $0x38;
	[tilespmem:$0x1A400] =	vst v63  }
0x31: {  	_ =	swait.ge [sflag:s25], $0x4000  }
0x32: {  	[sflag:s25] =	ssyncset.done $0x0  }
0x33: {  	s29 =	sadd.s32 $0x0, s10;
	s28 =	simm.s32 $0x2800;
	[sflag:s25] =	ssyncadd.s32 $0xFFFFC000  }
.LBB2_2:
0x34: {  	[hbm4b:s29+s2] =	stream.linear.scatter [tilespmem:s20], [sflag:$0x5], $0x4000, $0x38;
	[tilespmem:$0x1A400] =	vst v63  }
0x35: {  	s29 =	smov.u32 s28  }
0x36: {  	p0 =	sne.s32 s28, $0x5F000;
	s28 =	sadd.s32 $0x2800, s28;
	_ =	swait.ge [sflag:s21], $0x4000  }
0x37: {  	[sflag:s21] =	ssyncset.done $0x0  }
0x38: {  	s30 =	sadd.s32 s29, s14;
	[sflag:s21] =	ssyncadd.s32 $0xFFFFC000  }
0x39: {  	[hbm4b:s30+s2] =	stream.linear.scatter [tilespmem:s16], [sflag:$0x1], $0x4000, $0x38;
	[tilespmem:$0x1A400] =	vst v63  }
0x3a: {  	_ =	swait.ge [sflag:s22], $0x4000  }
0x3b: {  	[sflag:s22] =	ssyncset.done $0x0  }
0x3c: {  	s30 =	sadd.s32 s29, s13;
	[sflag:s22] =	ssyncadd.s32 $0xFFFFC000  }
0x3d: {  	[hbm4b:s30+s2] =	stream.linear.scatter [tilespmem:s17], [sflag:$0x2], $0x4000, $0x38;
	[tilespmem:$0x1A400] =	vst v63  }
0x3e: {  	_ =	swait.ge [sflag:s23], $0x4000  }
0x3f: {  	[sflag:s23] =	ssyncset.done $0x0  }
0x40: {  	s30 =	sadd.s32 s29, s12;
	[sflag:s23] =	ssyncadd.s32 $0xFFFFC000  }
0x41: {  	[hbm4b:s30+s2] =	stream.linear.scatter [tilespmem:s18], [sflag:$0x3], $0x4000, $0x38;
	[tilespmem:$0x1A400] =	vst v63  }
0x42: {  	_ =	swait.ge [sflag:s24], $0x4000  }
0x43: {  	[sflag:s24] =	ssyncset.done $0x0  }
.Ltmp0:
0x44: {  	s30 =	sadd.s32 s29, s11;
	[sflag:s24] =	ssyncadd.s32 $0xFFFFC000;
	(pc) =	sbr.rel @p0 .LBB2_2-.Ltmp0, $4  }
0x45: {  	[hbm4b:s30+s2] =	stream.linear.scatter [tilespmem:s19], [sflag:$0x4], $0x4000, $0x38;
	[tilespmem:$0x1A400] =	vst v63  }
0x46: {  	_ =	swait.ge [sflag:s25], $0x4000  }
0x47: {  	[sflag:s25] =	ssyncset.done $0x0  }
0x48: {  	s29 =	sadd.s32 s29, s10;
	[sflag:s25] =	ssyncadd.s32 $0xFFFFC000  }
0x49: {  	[hbm4b:s29+s2] =	stream.linear.scatter [tilespmem:s20], [sflag:$0x5], $0x4000, $0x38;
	[tilespmem:$0x1A400] =	vst v63  }
0x4a: {  	_ =	swait.ge [sflag:s21], $0x4000  }
0x4b: {  	[sflag:s21] =	ssyncset.done $0x0  }
0x4c: {  	[sflag:s21] =	ssyncadd.s32 $0xFFFFC000  }
0x4d: {  	_ =	swait.ge [sflag:s22], $0x4000  }
0x4e: {  	[sflag:s22] =	ssyncset.done $0x0  }
0x4f: {  	[sflag:s22] =	ssyncadd.s32 $0xFFFFC000  }
0x50: {  	_ =	swait.ge [sflag:s23], $0x4000  }
0x51: {  	[sflag:s23] =	ssyncset.done $0x0  }
0x52: {  	s26 =	sadd.s32 $0x1, s26;
	[sflag:s23] =	ssyncadd.s32 $0xFFFFC000  }
0x53: {  	p0 =	sne.s32 s26, s9;
	_ =	swait.ge [sflag:s24], $0x4000  }
.Ltmp1:
0x54: {  	[sflag:s24] =	ssyncset.done $0x0;
	(pc) =	sbr.rel @p0 .LBB2_1-.Ltmp1, $4  }
0x55: {  	[sflag:s24] =	ssyncadd.s32 $0xFFFFC000  }
0x56: {  	_ =	swait.ge [sflag:s25], $0x4000  }
0x57: {  	[sflag:s25] =	ssyncset.done $0x0  }
0x58: {  	[sflag:s25] =	ssyncadd.s32 $0xFFFFC000  }
0x59: {  	_ =	sfence.sel $0x180000  }
0x5a: {  	[bflag:$0x0] =	sbarrier.arrive $0xFFFF  }
0x5b: {  	p0 =	sne.s32 s0, $0x0;
	_ =	strace $0x90000047  }
0x5c: {  	s0 =	sadd.s32 @!p0 $0x100000, s1;
	[bflag:$0x2] =	sbarrier.arrive $0xFFFF  }
0x5d: {  	[sflag:s0] =	ssyncadd.tile.s32 @!p0 $0x1;
	_ =	shalt  }
.Lfunc_end2:
_tile_overlayer_lowered:
.L_overlay_start_2:
0x5e: {  	(tag) =	ssettag $0x2  }
0x5f: {  	s0 =	rddreg [dreg:$0x0];
	s2 =	stileid.u32  }
0x60: {  	s1 =	rddreg [dreg:$0x1];
	p0 =	sne.s32 s2, $0x0  }
0x61: {  	s3 =	rddreg [dreg:$0x2];
	[bflag:$0x3] =	sbarrier.arrive $0xFFFF;
	s2 =	simm.s32 @!p0 $0x1C06  }
0x62: {  	[timem:s3], [sflag:s2] =	dma.local @!p0 [hbm:s0], s1  }
0x63: {  	s0 =	simm.s32 @!p0 $0x6  }
0x64: {  	_ =	swait.ge @!p0 [sflag:s0], s1  }
0x65: {  	s1 =	ssub.s32 @!p0 $0x0, s1;
	[sflag:s0] =	ssyncset.done @!p0 $0x0  }
0x66: {  	[sflag:s0] =	ssyncadd.s32 @!p0 s1  }
0x67: {  	[bflag:$0x3] =	sbarrier.arrive $0xFFFF  }
0x68: {  	_ =	shalt  }

</sc_bundles>
